<compile_context>
chip_gen: v7x
topology: tpu7x:2x2x1
jax: 0.10.2.dev20260603
libtpu: 0.0.44.dev20260713+nightly
codegen_flags: <defaults>
</compile_context>

<pallas_src>
import jax
import jax.numpy as jnp
from jax.experimental import pallas as pl
from jax.experimental.pallas import tpu as pltpu
from jax.experimental.pallas import tpu_sc as plsc

M, B, D = 65536, 8192, 256
T = M + B

BLK = 4096
NM = M // BLK
NB = B // BLK


def _tc_body(k_ref, nk_ref, ok_ref):
    i = pl.program_id(0)

    @pl.when(i < NM)
    def _():
        ok_ref[...] = k_ref[...]

    @pl.when(i >= NM)
    def _():
        ok_ref[...] = nk_ref[...]


def _tc_concat(keys, new_keys):
    return pl.pallas_call(
        _tc_body,
        grid=(NM + NB,),
        in_specs=[
            pl.BlockSpec((BLK, D), lambda i: (jnp.minimum(i, NM - 1), 0)),
            pl.BlockSpec((BLK, D), lambda i: (jnp.maximum(i - NM, 0), 0)),
        ],
        out_specs=pl.BlockSpec((BLK, D), lambda i: (i, 0)),
        out_shape=jax.ShapeDtypeStruct((T, D), keys.dtype),
    )(keys, new_keys)


K_TC = 49152
NW = 32
CH = 128
NBUF = 3
W_OLD = (M - K_TC) // NW
W_NEW = B // NW
N_OLD = W_OLD // CH
N_NEW = W_NEW // CH


def _sc_tail(keys, new_keys):
    mesh = plsc.VectorSubcoreMesh(
        core_axis_name="core", subcore_axis_name="subcore")

    @pl.kernel(
        out_type=jax.ShapeDtypeStruct((T, D), keys.dtype),
        mesh=mesh,
        scratch_types=[
            [pltpu.VMEM((CH, D), keys.dtype) for _ in range(NBUF)],
            pltpu.SemaphoreType.DMA((NBUF,)),
            pltpu.SemaphoreType.DMA((NBUF,)),
        ],
    )
    def sc_copy(k_hbm, nk_hbm, ok_hbm, bufs, in_sems, out_sems):
        core = jax.lax.axis_index("core")
        sub = jax.lax.axis_index("subcore")
        wid = sub * 2 + core
        old_base = K_TC + wid * W_OLD
        new_base = wid * W_NEW

        chunks = []
        for c in range(N_OLD):
            off = old_base + c * CH
            chunks.append((k_hbm, off, off))
        for c in range(N_NEW):
            off = new_base + c * CH
            chunks.append((nk_hbm, off, M + off))
        n = len(chunks)

        in_cp = [None] * n
        out_cp = [None] * n

        def start_in(i):
            src, soff, _ = chunks[i]
            b = i % NBUF
            in_cp[i] = pltpu.make_async_copy(
                src.at[pl.ds(soff, CH), :], bufs[b], in_sems.at[b])
            in_cp[i].start()

        def start_out(i):
            _, _, doff = chunks[i]
            b = i % NBUF
            out_cp[i] = pltpu.make_async_copy(
                bufs[b], ok_hbm.at[pl.ds(doff, CH), :], out_sems.at[b])
            out_cp[i].start()

        for i in range(min(NBUF, n)):
            start_in(i)
        for i in range(n):
            in_cp[i].wait()
            start_out(i)
            j = i + NBUF - 1
            if i >= 1 and j < n:
                out_cp[i - 1].wait()
                start_in(j)
        for i in range(max(0, n - NBUF + 1), n):
            out_cp[i].wait()

    return sc_copy(keys, new_keys)


NFILL = K_TC // BLK


def _fill_body(k_ref, alias_ref, ok_ref):
    ok_ref[...] = k_ref[...]


def _tc_fill(keys, partial):
    return pl.pallas_call(
        _fill_body,
        grid=(NFILL,),
        in_specs=[
            pl.BlockSpec((BLK, D), lambda i: (i, 0)),
            pl.BlockSpec(memory_space=pltpu.MemorySpace.HBM),
        ],
        out_specs=pl.BlockSpec((BLK, D), lambda i: (i, 0)),
        out_shape=jax.ShapeDtypeStruct((T, D), keys.dtype),
        input_output_aliases={1: 0},
    )(keys, partial)


def kernel(keys, vals, new_keys, new_vals):
    partial_keys = _sc_tail(keys, new_keys)
    out_vals = _tc_concat(vals, new_vals)
    out_keys = _tc_fill(keys, partial_keys)
    return (out_keys, out_vals)

# --- scband reference (transcript-rebuilt; emitter-appended) ---
"""Pipeline reference for scband-memory-bank-55559696941384 (READ-ONLY COPY).

The authoritative reference and input builder live on the scoring server;
editing this copy changes nothing except your own understanding.
"""

import jax, jax.numpy as jnp
import numpy as np

M, B, D = 65536, 8192, 256

def setup_inputs(seed: int = 0) -> dict:
    key = jax.random.key(seed)
    k1, k2, k3, k4 = jax.random.split(key, 4)
    return {
        "keys": jax.random.normal(k1, (M, D), dtype=jnp.float32),
        "vals": jax.random.normal(k2, (M, D), dtype=jnp.float32),
        "new_keys": jax.random.normal(k3, (B, D), dtype=jnp.float32),
        "new_vals": jax.random.normal(k4, (B, D), dtype=jnp.float32),
    }

def reference(keys, vals, new_keys, new_vals):
    # MemoryBank.update_memory: old memory is detach().clone()'d, then
    # concatenated with the new keys/vals along dim 0 (set_memory).
    old_keys = jax.lax.stop_gradient(keys)   # detach()
    old_vals = jax.lax.stop_gradient(vals)
    out_keys = jnp.concatenate([old_keys, new_keys], axis=0)
    out_vals = jnp.concatenate([old_vals, new_vals], axis=0)
    return (out_keys, out_vals)

if __name__ == "__main__":
    import jax
    _d = setup_inputs()
    print(jax.jit(kernel)(*tuple(_d.values())))

</pallas_src>

<mosaic_0001>
#map = affine_map<(d0, d1) -> (0, 0)>
module attributes {stable_mosaic.version = 14 : i64} {
  func.func @sc_copy(%arg0: i32, %arg1: i32, %arg2: memref<65536x256xf32, #tpu.memory_space<hbm>>, %arg3: memref<8192x256xf32, #tpu.memory_space<hbm>>, %arg4: memref<73728x256xf32, #tpu.memory_space<hbm>>, %arg5: memref<128x256xf32, #tpu.memory_space<vmem>>, %arg6: memref<128x256xf32, #tpu.memory_space<vmem>>, %arg7: memref<128x256xf32, #tpu.memory_space<vmem>>, %arg8: memref<3x!tpu.dma_semaphore, #tpu.memory_space<semaphore_mem>>, %arg9: memref<3x!tpu.dma_semaphore, #tpu.memory_space<semaphore_mem>>) attributes {dimension_semantics = [#tpu.dimension_semantics<core_parallel>, #tpu.dimension_semantics<subcore_parallel>], iteration_bounds = array<i64: 2, 16>, scalar_prefetch = 0 : i64, scratch_operands = 5 : i64, tpu.core_type = #tpu.core_type<sc_vector_subcore>, window_params = [{transform_indices = #map}, {transform_indices = #map}, {transform_indices = #map}]} {
    %mul3A = arith.constant 2 : i32
    %mul3A_0 = arith.muli %arg1, %mul3A : i32
    %add3A = arith.addi %mul3A_0, %arg0 : i32
    %mul3A_1 = arith.constant 512 : i32
    %mul3A_2 = arith.muli %add3A, %mul3A_1 : i32
    %add3A_3 = arith.constant 49152 : i32
    %add3A_4 = arith.addi %add3A_3, %mul3A_2 : i32
    %mul3A_5 = arith.constant 256 : i32
    %mul3A_6 = arith.muli %add3A, %mul3A_5 : i32
    %add3A_7 = arith.constant 0 : i32
    %add3A_8 = arith.addi %add3A_4, %add3A_7 : i32
    %add3A_9 = arith.constant 128 : i32
    %add3A_10 = arith.addi %add3A_4, %add3A_9 : i32
    %add3A_11 = arith.constant 256 : i32
    %add3A_12 = arith.addi %add3A_4, %add3A_11 : i32
    %add3A_13 = arith.constant 384 : i32
    %add3A_14 = arith.addi %add3A_4, %add3A_13 : i32
    %add3A_15 = arith.constant 0 : i32
    %add3A_16 = arith.addi %mul3A_6, %add3A_15 : i32
    %add3A_17 = arith.constant 65536 : i32
    %add3A_18 = arith.addi %add3A_17, %add3A_16 : i32
    %add3A_19 = arith.constant 128 : i32
    %add3A_20 = arith.addi %mul3A_6, %add3A_19 : i32
    %add3A_21 = arith.constant 65536 : i32
    %add3A_22 = arith.addi %add3A_21, %add3A_20 : i32
    %dma_start3A = arith.constant 0 : i32
    %dma_start3A_23 = arith.constant 0 : i32
    %dma_start3A_24 = tpu.memref_slice %arg2[%add3A_8, %dma_start3A_23] : memref<65536x256xf32, #tpu.memory_space<hbm>> -> memref<128x256xf32, #tpu.memory_space<hbm>>
    %dma_start3A_25 = tpu.memref_slice %arg8[%dma_start3A] : memref<3x!tpu.dma_semaphore, #tpu.memory_space<semaphore_mem>> -> memref<1x!tpu.dma_semaphore, #tpu.memory_space<semaphore_mem>>
    %dma_start3A_26 = tpu.memref_squeeze %dma_start3A_25 : memref<1x!tpu.dma_semaphore, #tpu.memory_space<semaphore_mem>> -> memref<!tpu.dma_semaphore, #tpu.memory_space<semaphore_mem>>
    %dma_start3A_27 = arith.constant 0 : i32
    %dma_start3A_28 = tpu.memref_slice %arg2[%add3A_8, %dma_start3A_27] : memref<65536x256xf32, #tpu.memory_space<hbm>> -> memref<128x256xf32, #tpu.memory_space<hbm>>
    tpu.enqueue_dma source(%dma_start3A_28 : memref<128x256xf32, #tpu.memory_space<hbm>>) target(%arg5 : memref<128x256xf32, #tpu.memory_space<vmem>>) target_semaphore(%dma_start3A_26 : memref<!tpu.dma_semaphore, #tpu.memory_space<semaphore_mem>>)
    %dma_start3A_29 = arith.constant 1 : i32
    %dma_start3A_30 = arith.constant 0 : i32
    %dma_start3A_31 = tpu.memref_slice %arg2[%add3A_10, %dma_start3A_30] : memref<65536x256xf32, #tpu.memory_space<hbm>> -> memref<128x256xf32, #tpu.memory_space<hbm>>
    %dma_start3A_32 = tpu.memref_slice %arg8[%dma_start3A_29] : memref<3x!tpu.dma_semaphore, #tpu.memory_space<semaphore_mem>> -> memref<1x!tpu.dma_semaphore, #tpu.memory_space<semaphore_mem>>
    %dma_start3A_33 = tpu.memref_squeeze %dma_start3A_32 : memref<1x!tpu.dma_semaphore, #tpu.memory_space<semaphore_mem>> -> memref<!tpu.dma_semaphore, #tpu.memory_space<semaphore_mem>>
    %dma_start3A_34 = arith.constant 0 : i32
    %dma_start3A_35 = tpu.memref_slice %arg2[%add3A_10, %dma_start3A_34] : memref<65536x256xf32, #tpu.memory_space<hbm>> -> memref<128x256xf32, #tpu.memory_space<hbm>>
    tpu.enqueue_dma source(%dma_start3A_35 : memref<128x256xf32, #tpu.memory_space<hbm>>) target(%arg6 : memref<128x256xf32, #tpu.memory_space<vmem>>) target_semaphore(%dma_start3A_33 : memref<!tpu.dma_semaphore, #tpu.memory_space<semaphore_mem>>)
    %dma_start3A_36 = arith.constant 2 : i32
    %dma_start3A_37 = arith.constant 0 : i32
    %dma_start3A_38 = tpu.memref_slice %arg2[%add3A_12, %dma_start3A_37] : memref<65536x256xf32, #tpu.memory_space<hbm>> -> memref<128x256xf32, #tpu.memory_space<hbm>>
    %dma_start3A_39 = tpu.memref_slice %arg8[%dma_start3A_36] : memref<3x!tpu.dma_semaphore, #tpu.memory_space<semaphore_mem>> -> memref<1x!tpu.dma_semaphore, #tpu.memory_space<semaphore_mem>>
    %dma_start3A_40 = tpu.memref_squeeze %dma_start3A_39 : memref<1x!tpu.dma_semaphore, #tpu.memory_space<semaphore_mem>> -> memref<!tpu.dma_semaphore, #tpu.memory_space<semaphore_mem>>
    %dma_start3A_41 = arith.constant 0 : i32
    %dma_start3A_42 = tpu.memref_slice %arg2[%add3A_12, %dma_start3A_41] : memref<65536x256xf32, #tpu.memory_space<hbm>> -> memref<128x256xf32, #tpu.memory_space<hbm>>
    tpu.enqueue_dma source(%dma_start3A_42 : memref<128x256xf32, #tpu.memory_space<hbm>>) target(%arg7 : memref<128x256xf32, #tpu.memory_space<vmem>>) target_semaphore(%dma_start3A_40 : memref<!tpu.dma_semaphore, #tpu.memory_space<semaphore_mem>>)
    %dma_wait3A = arith.constant 0 : i32
    %dma_wait3A_43 = arith.constant 0 : i32
    %dma_wait3A_44 = tpu.memref_slice %arg2[%add3A_8, %dma_wait3A_43] : memref<65536x256xf32, #tpu.memory_space<hbm>> -> memref<128x256xf32, #tpu.memory_space<hbm>>
    %dma_wait3A_45 = tpu.memref_slice %arg8[%dma_wait3A] : memref<3x!tpu.dma_semaphore, #tpu.memory_space<semaphore_mem>> -> memref<1x!tpu.dma_semaphore, #tpu.memory_space<semaphore_mem>>
    %dma_wait3A_46 = tpu.memref_squeeze %dma_wait3A_45 : memref<1x!tpu.dma_semaphore, #tpu.memory_space<semaphore_mem>> -> memref<!tpu.dma_semaphore, #tpu.memory_space<semaphore_mem>>
    %dma_wait3A_47 = arith.constant 0 : i32
    %dma_wait3A_48 = tpu.memref_slice %arg2[%add3A_8, %dma_wait3A_47] : memref<65536x256xf32, #tpu.memory_space<hbm>> -> memref<128x256xf32, #tpu.memory_space<hbm>>
    tpu.wait_dma2 semaphore(%dma_wait3A_46 : memref<!tpu.dma_semaphore, #tpu.memory_space<semaphore_mem>>) src(%dma_wait3A_48 : memref<128x256xf32, #tpu.memory_space<hbm>>) dst(%arg5 : memref<128x256xf32, #tpu.memory_space<vmem>>)
    %dma_start3A_49 = arith.constant 0 : i32
    %dma_start3A_50 = arith.constant 0 : i32
    %dma_start3A_51 = tpu.memref_slice %arg4[%add3A_8, %dma_start3A_50] : memref<73728x256xf32, #tpu.memory_space<hbm>> -> memref<128x256xf32, #tpu.memory_space<hbm>>
    %dma_start3A_52 = tpu.memref_slice %arg9[%dma_start3A_49] : memref<3x!tpu.dma_semaphore, #tpu.memory_space<semaphore_mem>> -> memref<1x!tpu.dma_semaphore, #tpu.memory_space<semaphore_mem>>
    %dma_start3A_53 = tpu.memref_squeeze %dma_start3A_52 : memref<1x!tpu.dma_semaphore, #tpu.memory_space<semaphore_mem>> -> memref<!tpu.dma_semaphore, #tpu.memory_space<semaphore_mem>>
    %dma_start3A_54 = arith.constant 0 : i32
    %dma_start3A_55 = tpu.memref_slice %arg4[%add3A_8, %dma_start3A_54] : memref<73728x256xf32, #tpu.memory_space<hbm>> -> memref<128x256xf32, #tpu.memory_space<hbm>>
    tpu.enqueue_dma source(%arg5 : memref<128x256xf32, #tpu.memory_space<vmem>>) target(%dma_start3A_55 : memref<128x256xf32, #tpu.memory_space<hbm>>) target_semaphore(%dma_start3A_53 : memref<!tpu.dma_semaphore, #tpu.memory_space<semaphore_mem>>)
    %dma_wait3A_56 = arith.constant 1 : i32
    %dma_wait3A_57 = arith.constant 0 : i32
    %dma_wait3A_58 = tpu.memref_slice %arg2[%add3A_10, %dma_wait3A_57] : memref<65536x256xf32, #tpu.memory_space<hbm>> -> memref<128x256xf32, #tpu.memory_space<hbm>>
    %dma_wait3A_59 = tpu.memref_slice %arg8[%dma_wait3A_56] : memref<3x!tpu.dma_semaphore, #tpu.memory_space<semaphore_mem>> -> memref<1x!tpu.dma_semaphore, #tpu.memory_space<semaphore_mem>>
    %dma_wait3A_60 = tpu.memref_squeeze %dma_wait3A_59 : memref<1x!tpu.dma_semaphore, #tpu.memory_space<semaphore_mem>> -> memref<!tpu.dma_semaphore, #tpu.memory_space<semaphore_mem>>
    %dma_wait3A_61 = arith.constant 0 : i32
    %dma_wait3A_62 = tpu.memref_slice %arg2[%add3A_10, %dma_wait3A_61] : memref<65536x256xf32, #tpu.memory_space<hbm>> -> memref<128x256xf32, #tpu.memory_space<hbm>>
    tpu.wait_dma2 semaphore(%dma_wait3A_60 : memref<!tpu.dma_semaphore, #tpu.memory_space<semaphore_mem>>) src(%dma_wait3A_62 : memref<128x256xf32, #tpu.memory_space<hbm>>) dst(%arg6 : memref<128x256xf32, #tpu.memory_space<vmem>>)
    %dma_start3A_63 = arith.constant 1 : i32
    %dma_start3A_64 = arith.constant 0 : i32
    %dma_start3A_65 = tpu.memref_slice %arg4[%add3A_10, %dma_start3A_64] : memref<73728x256xf32, #tpu.memory_space<hbm>> -> memref<128x256xf32, #tpu.memory_space<hbm>>
    %dma_start3A_66 = tpu.memref_slice %arg9[%dma_start3A_63] : memref<3x!tpu.dma_semaphore, #tpu.memory_space<semaphore_mem>> -> memref<1x!tpu.dma_semaphore, #tpu.memory_space<semaphore_mem>>
    %dma_start3A_67 = tpu.memref_squeeze %dma_start3A_66 : memref<1x!tpu.dma_semaphore, #tpu.memory_space<semaphore_mem>> -> memref<!tpu.dma_semaphore, #tpu.memory_space<semaphore_mem>>
    %dma_start3A_68 = arith.constant 0 : i32
    %dma_start3A_69 = tpu.memref_slice %arg4[%add3A_10, %dma_start3A_68] : memref<73728x256xf32, #tpu.memory_space<hbm>> -> memref<128x256xf32, #tpu.memory_space<hbm>>
    tpu.enqueue_dma source(%arg6 : memref<128x256xf32, #tpu.memory_space<vmem>>) target(%dma_start3A_69 : memref<128x256xf32, #tpu.memory_space<hbm>>) target_semaphore(%dma_start3A_67 : memref<!tpu.dma_semaphore, #tpu.memory_space<semaphore_mem>>)
    %dma_wait3A_70 = arith.constant 0 : i32
    %dma_wait3A_71 = arith.constant 0 : i32
    %dma_wait3A_72 = tpu.memref_slice %arg4[%add3A_8, %dma_wait3A_71] : memref<73728x256xf32, #tpu.memory_space<hbm>> -> memref<128x256xf32, #tpu.memory_space<hbm>>
    %dma_wait3A_73 = tpu.memref_slice %arg9[%dma_wait3A_70] : memref<3x!tpu.dma_semaphore, #tpu.memory_space<semaphore_mem>> -> memref<1x!tpu.dma_semaphore, #tpu.memory_space<semaphore_mem>>
    %dma_wait3A_74 = tpu.memref_squeeze %dma_wait3A_73 : memref<1x!tpu.dma_semaphore, #tpu.memory_space<semaphore_mem>> -> memref<!tpu.dma_semaphore, #tpu.memory_space<semaphore_mem>>
    %dma_wait3A_75 = arith.constant 0 : i32
    %dma_wait3A_76 = tpu.memref_slice %arg4[%add3A_8, %dma_wait3A_75] : memref<73728x256xf32, #tpu.memory_space<hbm>> -> memref<128x256xf32, #tpu.memory_space<hbm>>
    tpu.wait_dma2 semaphore(%dma_wait3A_74 : memref<!tpu.dma_semaphore, #tpu.memory_space<semaphore_mem>>) src(%arg5 : memref<128x256xf32, #tpu.memory_space<vmem>>) dst(%dma_wait3A_76 : memref<128x256xf32, #tpu.memory_space<hbm>>)
    %dma_start3A_77 = arith.constant 0 : i32
    %dma_start3A_78 = arith.constant 0 : i32
    %dma_start3A_79 = tpu.memref_slice %arg2[%add3A_14, %dma_start3A_78] : memref<65536x256xf32, #tpu.memory_space<hbm>> -> memref<128x256xf32, #tpu.memory_space<hbm>>
    %dma_start3A_80 = tpu.memref_slice %arg8[%dma_start3A_77] : memref<3x!tpu.dma_semaphore, #tpu.memory_space<semaphore_mem>> -> memref<1x!tpu.dma_semaphore, #tpu.memory_space<semaphore_mem>>
    %dma_start3A_81 = tpu.memref_squeeze %dma_start3A_80 : memref<1x!tpu.dma_semaphore, #tpu.memory_space<semaphore_mem>> -> memref<!tpu.dma_semaphore, #tpu.memory_space<semaphore_mem>>
    %dma_start3A_82 = arith.constant 0 : i32
    %dma_start3A_83 = tpu.memref_slice %arg2[%add3A_14, %dma_start3A_82] : memref<65536x256xf32, #tpu.memory_space<hbm>> -> memref<128x256xf32, #tpu.memory_space<hbm>>
    tpu.enqueue_dma source(%dma_start3A_83 : memref<128x256xf32, #tpu.memory_space<hbm>>) target(%arg5 : memref<128x256xf32, #tpu.memory_space<vmem>>) target_semaphore(%dma_start3A_81 : memref<!tpu.dma_semaphore, #tpu.memory_space<semaphore_mem>>)
    %dma_wait3A_84 = arith.constant 2 : i32
    %dma_wait3A_85 = arith.constant 0 : i32
    %dma_wait3A_86 = tpu.memref_slice %arg2[%add3A_12, %dma_wait3A_85] : memref<65536x256xf32, #tpu.memory_space<hbm>> -> memref<128x256xf32, #tpu.memory_space<hbm>>
    %dma_wait3A_87 = tpu.memref_slice %arg8[%dma_wait3A_84] : memref<3x!tpu.dma_semaphore, #tpu.memory_space<semaphore_mem>> -> memref<1x!tpu.dma_semaphore, #tpu.memory_space<semaphore_mem>>
    %dma_wait3A_88 = tpu.memref_squeeze %dma_wait3A_87 : memref<1x!tpu.dma_semaphore, #tpu.memory_space<semaphore_mem>> -> memref<!tpu.dma_semaphore, #tpu.memory_space<semaphore_mem>>
    %dma_wait3A_89 = arith.constant 0 : i32
    %dma_wait3A_90 = tpu.memref_slice %arg2[%add3A_12, %dma_wait3A_89] : memref<65536x256xf32, #tpu.memory_space<hbm>> -> memref<128x256xf32, #tpu.memory_space<hbm>>
    tpu.wait_dma2 semaphore(%dma_wait3A_88 : memref<!tpu.dma_semaphore, #tpu.memory_space<semaphore_mem>>) src(%dma_wait3A_90 : memref<128x256xf32, #tpu.memory_space<hbm>>) dst(%arg7 : memref<128x256xf32, #tpu.memory_space<vmem>>)
    %dma_start3A_91 = arith.constant 2 : i32
    %dma_start3A_92 = arith.constant 0 : i32
    %dma_start3A_93 = tpu.memref_slice %arg4[%add3A_12, %dma_start3A_92] : memref<73728x256xf32, #tpu.memory_space<hbm>> -> memref<128x256xf32, #tpu.memory_space<hbm>>
    %dma_start3A_94 = tpu.memref_slice %arg9[%dma_start3A_91] : memref<3x!tpu.dma_semaphore, #tpu.memory_space<semaphore_mem>> -> memref<1x!tpu.dma_semaphore, #tpu.memory_space<semaphore_mem>>
    %dma_start3A_95 = tpu.memref_squeeze %dma_start3A_94 : memref<1x!tpu.dma_semaphore, #tpu.memory_space<semaphore_mem>> -> memref<!tpu.dma_semaphore, #tpu.memory_space<semaphore_mem>>
    %dma_start3A_96 = arith.constant 0 : i32
    %dma_start3A_97 = tpu.memref_slice %arg4[%add3A_12, %dma_start3A_96] : memref<73728x256xf32, #tpu.memory_space<hbm>> -> memref<128x256xf32, #tpu.memory_space<hbm>>
    tpu.enqueue_dma source(%arg7 : memref<128x256xf32, #tpu.memory_space<vmem>>) target(%dma_start3A_97 : memref<128x256xf32, #tpu.memory_space<hbm>>) target_semaphore(%dma_start3A_95 : memref<!tpu.dma_semaphore, #tpu.memory_space<semaphore_mem>>)
    %dma_wait3A_98 = arith.constant 1 : i32
    %dma_wait3A_99 = arith.constant 0 : i32
    %dma_wait3A_100 = tpu.memref_slice %arg4[%add3A_10, %dma_wait3A_99] : memref<73728x256xf32, #tpu.memory_space<hbm>> -> memref<128x256xf32, #tpu.memory_space<hbm>>
    %dma_wait3A_101 = tpu.memref_slice %arg9[%dma_wait3A_98] : memref<3x!tpu.dma_semaphore, #tpu.memory_space<semaphore_mem>> -> memref<1x!tpu.dma_semaphore, #tpu.memory_space<semaphore_mem>>
    %dma_wait3A_102 = tpu.memref_squeeze %dma_wait3A_101 : memref<1x!tpu.dma_semaphore, #tpu.memory_space<semaphore_mem>> -> memref<!tpu.dma_semaphore, #tpu.memory_space<semaphore_mem>>
    %dma_wait3A_103 = arith.constant 0 : i32
    %dma_wait3A_104 = tpu.memref_slice %arg4[%add3A_10, %dma_wait3A_103] : memref<73728x256xf32, #tpu.memory_space<hbm>> -> memref<128x256xf32, #tpu.memory_space<hbm>>
    tpu.wait_dma2 semaphore(%dma_wait3A_102 : memref<!tpu.dma_semaphore, #tpu.memory_space<semaphore_mem>>) src(%arg6 : memref<128x256xf32, #tpu.memory_space<vmem>>) dst(%dma_wait3A_104 : memref<128x256xf32, #tpu.memory_space<hbm>>)
    %dma_start3A_105 = arith.constant 1 : i32
    %dma_start3A_106 = arith.constant 0 : i32
    %dma_start3A_107 = tpu.memref_slice %arg3[%add3A_16, %dma_start3A_106] : memref<8192x256xf32, #tpu.memory_space<hbm>> -> memref<128x256xf32, #tpu.memory_space<hbm>>
    %dma_start3A_108 = tpu.memref_slice %arg8[%dma_start3A_105] : memref<3x!tpu.dma_semaphore, #tpu.memory_space<semaphore_mem>> -> memref<1x!tpu.dma_semaphore, #tpu.memory_space<semaphore_mem>>
    %dma_start3A_109 = tpu.memref_squeeze %dma_start3A_108 : memref<1x!tpu.dma_semaphore, #tpu.memory_space<semaphore_mem>> -> memref<!tpu.dma_semaphore, #tpu.memory_space<semaphore_mem>>
    %dma_start3A_110 = arith.constant 0 : i32
    %dma_start3A_111 = tpu.memref_slice %arg3[%add3A_16, %dma_start3A_110] : memref<8192x256xf32, #tpu.memory_space<hbm>> -> memref<128x256xf32, #tpu.memory_space<hbm>>
    tpu.enqueue_dma source(%dma_start3A_111 : memref<128x256xf32, #tpu.memory_space<hbm>>) target(%arg6 : memref<128x256xf32, #tpu.memory_space<vmem>>) target_semaphore(%dma_start3A_109 : memref<!tpu.dma_semaphore, #tpu.memory_space<semaphore_mem>>)
    %dma_wait3A_112 = arith.constant 0 : i32
    %dma_wait3A_113 = arith.constant 0 : i32
    %dma_wait3A_114 = tpu.memref_slice %arg2[%add3A_14, %dma_wait3A_113] : memref<65536x256xf32, #tpu.memory_space<hbm>> -> memref<128x256xf32, #tpu.memory_space<hbm>>
    %dma_wait3A_115 = tpu.memref_slice %arg8[%dma_wait3A_112] : memref<3x!tpu.dma_semaphore, #tpu.memory_space<semaphore_mem>> -> memref<1x!tpu.dma_semaphore, #tpu.memory_space<semaphore_mem>>
    %dma_wait3A_116 = tpu.memref_squeeze %dma_wait3A_115 : memref<1x!tpu.dma_semaphore, #tpu.memory_space<semaphore_mem>> -> memref<!tpu.dma_semaphore, #tpu.memory_space<semaphore_mem>>
    %dma_wait3A_117 = arith.constant 0 : i32
    %dma_wait3A_118 = tpu.memref_slice %arg2[%add3A_14, %dma_wait3A_117] : memref<65536x256xf32, #tpu.memory_space<hbm>> -> memref<128x256xf32, #tpu.memory_space<hbm>>
    tpu.wait_dma2 semaphore(%dma_wait3A_116 : memref<!tpu.dma_semaphore, #tpu.memory_space<semaphore_mem>>) src(%dma_wait3A_118 : memref<128x256xf32, #tpu.memory_space<hbm>>) dst(%arg5 : memref<128x256xf32, #tpu.memory_space<vmem>>)
    %dma_start3A_119 = arith.constant 0 : i32
    %dma_start3A_120 = arith.constant 0 : i32
    %dma_start3A_121 = tpu.memref_slice %arg4[%add3A_14, %dma_start3A_120] : memref<73728x256xf32, #tpu.memory_space<hbm>> -> memref<128x256xf32, #tpu.memory_space<hbm>>
    %dma_start3A_122 = tpu.memref_slice %arg9[%dma_start3A_119] : memref<3x!tpu.dma_semaphore, #tpu.memory_space<semaphore_mem>> -> memref<1x!tpu.dma_semaphore, #tpu.memory_space<semaphore_mem>>
    %dma_start3A_123 = tpu.memref_squeeze %dma_start3A_122 : memref<1x!tpu.dma_semaphore, #tpu.memory_space<semaphore_mem>> -> memref<!tpu.dma_semaphore, #tpu.memory_space<semaphore_mem>>
    %dma_start3A_124 = arith.constant 0 : i32
    %dma_start3A_125 = tpu.memref_slice %arg4[%add3A_14, %dma_start3A_124] : memref<73728x256xf32, #tpu.memory_space<hbm>> -> memref<128x256xf32, #tpu.memory_space<hbm>>
    tpu.enqueue_dma source(%arg5 : memref<128x256xf32, #tpu.memory_space<vmem>>) target(%dma_start3A_125 : memref<128x256xf32, #tpu.memory_space<hbm>>) target_semaphore(%dma_start3A_123 : memref<!tpu.dma_semaphore, #tpu.memory_space<semaphore_mem>>)
    %dma_wait3A_126 = arith.constant 2 : i32
    %dma_wait3A_127 = arith.constant 0 : i32
    %dma_wait3A_128 = tpu.memref_slice %arg4[%add3A_12, %dma_wait3A_127] : memref<73728x256xf32, #tpu.memory_space<hbm>> -> memref<128x256xf32, #tpu.memory_space<hbm>>
    %dma_wait3A_129 = tpu.memref_slice %arg9[%dma_wait3A_126] : memref<3x!tpu.dma_semaphore, #tpu.memory_space<semaphore_mem>> -> memref<1x!tpu.dma_semaphore, #tpu.memory_space<semaphore_mem>>
    %dma_wait3A_130 = tpu.memref_squeeze %dma_wait3A_129 : memref<1x!tpu.dma_semaphore, #tpu.memory_space<semaphore_mem>> -> memref<!tpu.dma_semaphore, #tpu.memory_space<semaphore_mem>>
    %dma_wait3A_131 = arith.constant 0 : i32
    %dma_wait3A_132 = tpu.memref_slice %arg4[%add3A_12, %dma_wait3A_131] : memref<73728x256xf32, #tpu.memory_space<hbm>> -> memref<128x256xf32, #tpu.memory_space<hbm>>
    tpu.wait_dma2 semaphore(%dma_wait3A_130 : memref<!tpu.dma_semaphore, #tpu.memory_space<semaphore_mem>>) src(%arg7 : memref<128x256xf32, #tpu.memory_space<vmem>>) dst(%dma_wait3A_132 : memref<128x256xf32, #tpu.memory_space<hbm>>)
    %dma_start3A_133 = arith.constant 2 : i32
    %dma_start3A_134 = arith.constant 0 : i32
    %dma_start3A_135 = tpu.memref_slice %arg3[%add3A_20, %dma_start3A_134] : memref<8192x256xf32, #tpu.memory_space<hbm>> -> memref<128x256xf32, #tpu.memory_space<hbm>>
    %dma_start3A_136 = tpu.memref_slice %arg8[%dma_start3A_133] : memref<3x!tpu.dma_semaphore, #tpu.memory_space<semaphore_mem>> -> memref<1x!tpu.dma_semaphore, #tpu.memory_space<semaphore_mem>>
    %dma_start3A_137 = tpu.memref_squeeze %dma_start3A_136 : memref<1x!tpu.dma_semaphore, #tpu.memory_space<semaphore_mem>> -> memref<!tpu.dma_semaphore, #tpu.memory_space<semaphore_mem>>
    %dma_start3A_138 = arith.constant 0 : i32
    %dma_start3A_139 = tpu.memref_slice %arg3[%add3A_20, %dma_start3A_138] : memref<8192x256xf32, #tpu.memory_space<hbm>> -> memref<128x256xf32, #tpu.memory_space<hbm>>
    tpu.enqueue_dma source(%dma_start3A_139 : memref<128x256xf32, #tpu.memory_space<hbm>>) target(%arg7 : memref<128x256xf32, #tpu.memory_space<vmem>>) target_semaphore(%dma_start3A_137 : memref<!tpu.dma_semaphore, #tpu.memory_space<semaphore_mem>>)
    %dma_wait3A_140 = arith.constant 1 : i32
    %dma_wait3A_141 = arith.constant 0 : i32
    %dma_wait3A_142 = tpu.memref_slice %arg3[%add3A_16, %dma_wait3A_141] : memref<8192x256xf32, #tpu.memory_space<hbm>> -> memref<128x256xf32, #tpu.memory_space<hbm>>
    %dma_wait3A_143 = tpu.memref_slice %arg8[%dma_wait3A_140] : memref<3x!tpu.dma_semaphore, #tpu.memory_space<semaphore_mem>> -> memref<1x!tpu.dma_semaphore, #tpu.memory_space<semaphore_mem>>
    %dma_wait3A_144 = tpu.memref_squeeze %dma_wait3A_143 : memref<1x!tpu.dma_semaphore, #tpu.memory_space<semaphore_mem>> -> memref<!tpu.dma_semaphore, #tpu.memory_space<semaphore_mem>>
    %dma_wait3A_145 = arith.constant 0 : i32
    %dma_wait3A_146 = tpu.memref_slice %arg3[%add3A_16, %dma_wait3A_145] : memref<8192x256xf32, #tpu.memory_space<hbm>> -> memref<128x256xf32, #tpu.memory_space<hbm>>
    tpu.wait_dma2 semaphore(%dma_wait3A_144 : memref<!tpu.dma_semaphore, #tpu.memory_space<semaphore_mem>>) src(%dma_wait3A_146 : memref<128x256xf32, #tpu.memory_space<hbm>>) dst(%arg6 : memref<128x256xf32, #tpu.memory_space<vmem>>)
    %dma_start3A_147 = arith.constant 1 : i32
    %dma_start3A_148 = arith.constant 0 : i32
    %dma_start3A_149 = tpu.memref_slice %arg4[%add3A_18, %dma_start3A_148] : memref<73728x256xf32, #tpu.memory_space<hbm>> -> memref<128x256xf32, #tpu.memory_space<hbm>>
    %dma_start3A_150 = tpu.memref_slice %arg9[%dma_start3A_147] : memref<3x!tpu.dma_semaphore, #tpu.memory_space<semaphore_mem>> -> memref<1x!tpu.dma_semaphore, #tpu.memory_space<semaphore_mem>>
    %dma_start3A_151 = tpu.memref_squeeze %dma_start3A_150 : memref<1x!tpu.dma_semaphore, #tpu.memory_space<semaphore_mem>> -> memref<!tpu.dma_semaphore, #tpu.memory_space<semaphore_mem>>
    %dma_start3A_152 = arith.constant 0 : i32
    %dma_start3A_153 = tpu.memref_slice %arg4[%add3A_18, %dma_start3A_152] : memref<73728x256xf32, #tpu.memory_space<hbm>> -> memref<128x256xf32, #tpu.memory_space<hbm>>
    tpu.enqueue_dma source(%arg6 : memref<128x256xf32, #tpu.memory_space<vmem>>) target(%dma_start3A_153 : memref<128x256xf32, #tpu.memory_space<hbm>>) target_semaphore(%dma_start3A_151 : memref<!tpu.dma_semaphore, #tpu.memory_space<semaphore_mem>>)
    %dma_wait3A_154 = arith.constant 2 : i32
    %dma_wait3A_155 = arith.constant 0 : i32
    %dma_wait3A_156 = tpu.memref_slice %arg3[%add3A_20, %dma_wait3A_155] : memref<8192x256xf32, #tpu.memory_space<hbm>> -> memref<128x256xf32, #tpu.memory_space<hbm>>
    %dma_wait3A_157 = tpu.memref_slice %arg8[%dma_wait3A_154] : memref<3x!tpu.dma_semaphore, #tpu.memory_space<semaphore_mem>> -> memref<1x!tpu.dma_semaphore, #tpu.memory_space<semaphore_mem>>
    %dma_wait3A_158 = tpu.memref_squeeze %dma_wait3A_157 : memref<1x!tpu.dma_semaphore, #tpu.memory_space<semaphore_mem>> -> memref<!tpu.dma_semaphore, #tpu.memory_space<semaphore_mem>>
    %dma_wait3A_159 = arith.constant 0 : i32
    %dma_wait3A_160 = tpu.memref_slice %arg3[%add3A_20, %dma_wait3A_159] : memref<8192x256xf32, #tpu.memory_space<hbm>> -> memref<128x256xf32, #tpu.memory_space<hbm>>
    tpu.wait_dma2 semaphore(%dma_wait3A_158 : memref<!tpu.dma_semaphore, #tpu.memory_space<semaphore_mem>>) src(%dma_wait3A_160 : memref<128x256xf32, #tpu.memory_space<hbm>>) dst(%arg7 : memref<128x256xf32, #tpu.memory_space<vmem>>)
    %dma_start3A_161 = arith.constant 2 : i32
    %dma_start3A_162 = arith.constant 0 : i32
    %dma_start3A_163 = tpu.memref_slice %arg4[%add3A_22, %dma_start3A_162] : memref<73728x256xf32, #tpu.memory_space<hbm>> -> memref<128x256xf32, #tpu.memory_space<hbm>>
    %dma_start3A_164 = tpu.memref_slice %arg9[%dma_start3A_161] : memref<3x!tpu.dma_semaphore, #tpu.memory_space<semaphore_mem>> -> memref<1x!tpu.dma_semaphore, #tpu.memory_space<semaphore_mem>>
    %dma_start3A_165 = tpu.memref_squeeze %dma_start3A_164 : memref<1x!tpu.dma_semaphore, #tpu.memory_space<semaphore_mem>> -> memref<!tpu.dma_semaphore, #tpu.memory_space<semaphore_mem>>
    %dma_start3A_166 = arith.constant 0 : i32
    %dma_start3A_167 = tpu.memref_slice %arg4[%add3A_22, %dma_start3A_166] : memref<73728x256xf32, #tpu.memory_space<hbm>> -> memref<128x256xf32, #tpu.memory_space<hbm>>
    tpu.enqueue_dma source(%arg7 : memref<128x256xf32, #tpu.memory_space<vmem>>) target(%dma_start3A_167 : memref<128x256xf32, #tpu.memory_space<hbm>>) target_semaphore(%dma_start3A_165 : memref<!tpu.dma_semaphore, #tpu.memory_space<semaphore_mem>>)
    %dma_wait3A_168 = arith.constant 1 : i32
    %dma_wait3A_169 = arith.constant 0 : i32
    %dma_wait3A_170 = tpu.memref_slice %arg4[%add3A_18, %dma_wait3A_169] : memref<73728x256xf32, #tpu.memory_space<hbm>> -> memref<128x256xf32, #tpu.memory_space<hbm>>
    %dma_wait3A_171 = tpu.memref_slice %arg9[%dma_wait3A_168] : memref<3x!tpu.dma_semaphore, #tpu.memory_space<semaphore_mem>> -> memref<1x!tpu.dma_semaphore, #tpu.memory_space<semaphore_mem>>
    %dma_wait3A_172 = tpu.memref_squeeze %dma_wait3A_171 : memref<1x!tpu.dma_semaphore, #tpu.memory_space<semaphore_mem>> -> memref<!tpu.dma_semaphore, #tpu.memory_space<semaphore_mem>>
    %dma_wait3A_173 = arith.constant 0 : i32
    %dma_wait3A_174 = tpu.memref_slice %arg4[%add3A_18, %dma_wait3A_173] : memref<73728x256xf32, #tpu.memory_space<hbm>> -> memref<128x256xf32, #tpu.memory_space<hbm>>
    tpu.wait_dma2 semaphore(%dma_wait3A_172 : memref<!tpu.dma_semaphore, #tpu.memory_space<semaphore_mem>>) src(%arg6 : memref<128x256xf32, #tpu.memory_space<vmem>>) dst(%dma_wait3A_174 : memref<128x256xf32, #tpu.memory_space<hbm>>)
    %dma_wait3A_175 = arith.constant 2 : i32
    %dma_wait3A_176 = arith.constant 0 : i32
    %dma_wait3A_177 = tpu.memref_slice %arg4[%add3A_22, %dma_wait3A_176] : memref<73728x256xf32, #tpu.memory_space<hbm>> -> memref<128x256xf32, #tpu.memory_space<hbm>>
    %dma_wait3A_178 = tpu.memref_slice %arg9[%dma_wait3A_175] : memref<3x!tpu.dma_semaphore, #tpu.memory_space<semaphore_mem>> -> memref<1x!tpu.dma_semaphore, #tpu.memory_space<semaphore_mem>>
    %dma_wait3A_179 = tpu.memref_squeeze %dma_wait3A_178 : memref<1x!tpu.dma_semaphore, #tpu.memory_space<semaphore_mem>> -> memref<!tpu.dma_semaphore, #tpu.memory_space<semaphore_mem>>
    %dma_wait3A_180 = arith.constant 0 : i32
    %dma_wait3A_181 = tpu.memref_slice %arg4[%add3A_22, %dma_wait3A_180] : memref<73728x256xf32, #tpu.memory_space<hbm>> -> memref<128x256xf32, #tpu.memory_space<hbm>>
    tpu.wait_dma2 semaphore(%dma_wait3A_179 : memref<!tpu.dma_semaphore, #tpu.memory_space<semaphore_mem>>) src(%arg7 : memref<128x256xf32, #tpu.memory_space<vmem>>) dst(%dma_wait3A_181 : memref<128x256xf32, #tpu.memory_space<hbm>>)
    return
  }
}

module attributes {stable_mosaic.version = 14 : i64} {
  func.func @_tc_body(%arg0: i32, %arg1: memref<4096x256xf32, #tpu.memory_space<vmem>>, %arg2: memref<4096x256xf32, #tpu.memory_space<vmem>>, %arg3: memref<4096x256xf32, #tpu.memory_space<vmem>>) attributes {dimension_semantics = [#tpu.dimension_semantics<arbitrary>], iteration_bounds = array<i64: 18>, scalar_prefetch = 0 : i64, scratch_operands = 0 : i64, tpu.core_type = #tpu.core_type<tc>, window_params = [{transform_indices = @transform_0, window_bounds = array<i64: 4096, 256>}, {transform_indices = @transform_1, window_bounds = array<i64: 4096, 256>}, {transform_indices = @transform_2, window_bounds = array<i64: 4096, 256>}]} {
    %lt3A = arith.constant 16 : i32
    %lt3A_0 = arith.cmpi slt, %arg0, %lt3A : i32
    %convert_element_type3A = arith.extui %lt3A_0 : i1 to i32
    %cond3A = arith.constant 0 : i32
    %cond3A_1 = arith.cmpi ne, %convert_element_type3A, %cond3A : i32
    scf.if %cond3A_1 {
      %get3A = arith.constant 0 : index
      %get3A_6 = arith.constant 0 : index
      %get3A_7 = vector.load %arg1[%get3A, %get3A_6] : memref<4096x256xf32, #tpu.memory_space<vmem>>, vector<4096x256xf32>
      %swap3A = arith.constant 0 : index
      %swap3A_8 = arith.constant 0 : index
      %swap3A_9 = vector.load %arg3[%swap3A, %swap3A_8] : memref<4096x256xf32, #tpu.memory_space<vmem>>, vector<4096x256xf32>
      tpu.vector_store %arg3[%swap3A, %swap3A_8], %get3A_7 {strides = array<i32>} : memref<4096x256xf32, #tpu.memory_space<vmem>>, vector<4096x256xf32>,
    } else {
    }
    %ge3A = arith.constant 16 : i32
    %ge3A_2 = arith.cmpi sge, %arg0, %ge3A : i32
    %convert_element_type3A_3 = arith.extui %ge3A_2 : i1 to i32
    %cond3A_4 = arith.constant 0 : i32
    %cond3A_5 = arith.cmpi ne, %convert_element_type3A_3, %cond3A_4 : i32
    scf.if %cond3A_5 {
      %get3A = arith.constant 0 : index
      %get3A_6 = arith.constant 0 : index
      %get3A_7 = vector.load %arg2[%get3A, %get3A_6] : memref<4096x256xf32, #tpu.memory_space<vmem>>, vector<4096x256xf32>
      %swap3A = arith.constant 0 : index
      %swap3A_8 = arith.constant 0 : index
      %swap3A_9 = vector.load %arg3[%swap3A, %swap3A_8] : memref<4096x256xf32, #tpu.memory_space<vmem>>, vector<4096x256xf32>
      tpu.vector_store %arg3[%swap3A, %swap3A_8], %get3A_7 {strides = array<i32>} : memref<4096x256xf32, #tpu.memory_space<vmem>>, vector<4096x256xf32>,
    } else {
    }
    return
  }
  func.func @transform_0(%arg0: i32) -> (i32, i32) {
    %min3A = arith.constant 15 : i32
    %min3A_0 = arith.minsi %arg0, %min3A : i32
    %c0_i32 = arith.constant 0 : i32
    %c0_i32_1 = arith.constant 0 : i32
    return %min3A_0, %c0_i32 : i32, i32
  }
  func.func @transform_1(%arg0: i32) -> (i32, i32) {
    %sub3A = arith.constant 16 : i32
    %sub3A_0 = arith.subi %arg0, %sub3A : i32
    %max3A = arith.constant 0 : i32
    %max3A_1 = arith.maxsi %sub3A_0, %max3A : i32
    %c0_i32 = arith.constant 0 : i32
    %c0_i32_2 = arith.constant 0 : i32
    return %max3A_1, %c0_i32 : i32, i32
  }
  func.func @transform_2(%arg0: i32) -> (i32, i32) {
    %c0_i32 = arith.constant 0 : i32
    %c0_i32_0 = arith.constant 0 : i32
    return %arg0, %c0_i32 : i32, i32
  }
}

module attributes {stable_mosaic.version = 14 : i64} {
  func.func @_fill_body(%arg0: i32, %arg1: memref<4096x256xf32, #tpu.memory_space<vmem>>, %arg2: memref<73728x256xf32, #tpu.memory_space<hbm>>, %arg3: memref<4096x256xf32, #tpu.memory_space<vmem>>) attributes {dimension_semantics = [#tpu.dimension_semantics<arbitrary>], iteration_bounds = array<i64: 12>, scalar_prefetch = 0 : i64, scratch_operands = 0 : i64, tpu.core_type = #tpu.core_type<tc>, window_params = [{transform_indices = @transform_0, window_bounds = array<i64: 4096, 256>}, {}, {transform_indices = @transform_2, window_bounds = array<i64: 4096, 256>}]} {
    %get3A = arith.constant 0 : index
    %get3A_0 = arith.constant 0 : index
    %get3A_1 = vector.load %arg1[%get3A, %get3A_0] : memref<4096x256xf32, #tpu.memory_space<vmem>>, vector<4096x256xf32>
    %swap3A = arith.constant 0 : index
    %swap3A_2 = arith.constant 0 : index
    %swap3A_3 = vector.load %arg3[%swap3A, %swap3A_2] : memref<4096x256xf32, #tpu.memory_space<vmem>>, vector<4096x256xf32>
    tpu.vector_store %arg3[%swap3A, %swap3A_2], %get3A_1 {strides = array<i32>} : memref<4096x256xf32, #tpu.memory_space<vmem>>, vector<4096x256xf32>,
    return
  }
  func.func @transform_0(%arg0: i32) -> (i32, i32) {
    %c0_i32 = arith.constant 0 : i32
    %c0_i32_0 = arith.constant 0 : i32
    return %arg0, %c0_i32 : i32, i32
  }
  func.func @transform_2(%arg0: i32) -> (i32, i32) {
    %c0_i32 = arith.constant 0 : i32
    %c0_i32_0 = arith.constant 0 : i32
    return %arg0, %c0_i32 : i32, i32
  }
}

</mosaic_0001>

<sc_bundles>
// kernel: kernel.5.cloned.1.call-start
scs
__scs_entry_jumppad:
0x0: {  	(pc) =	sbr.rel $0x88, $3  }
0x1: {  	(tag) =	ssettag $0x0;
	lr =	simm.s32 $0x1  }
0x2: {  	[smem:$0x3F9D] =	sst lr;
	_ =	strace $0xD0000000  }
0x3: {  	_ = 	snop  }
0x4: {  	_ = 	snop  }
0x5: {  	_ = 	snop  }
0x6: {  	_ = 	snop  }
0x7: {  	_ = 	snop  }
__scs_overlays_trampoline_lowered:
0x8: {  	[smem:$0x3FAC] =	sst s0  }
0x9: {  	[smem:$0x3FAD] =	sst s1  }
0xa: {  	[smem:$0x3FAE] =	sst s2  }
0xb: {  	[smem:$0x3FAF] =	sst s3  }
0xc: {  	[smem:$0x3FB0] =	sst s4  }
0xd: {  	[smem:$0x3FB1] =	sst s5  }
0xe: {  	[smem:$0x3FB2] =	sst s6  }
0xf: {  	[smem:$0x3FB3] =	sst s7  }
0x10: {  	[smem:$0x3FB4] =	sst s8  }
0x11: {  	[smem:$0x3FB5] =	sst s9;
	s0 =	simm.s32 @!p0 $0x0  }
0x12: {  	s1 =	sld [smem:$0x3F9B];
	s0 =	simm.s32 @p0 $0x1  }
0x13: {  	[smem:$0x3FB6] =	sst s0;
	s0 =	simm.s32 @!p1 $0x0  }
0x14: {  	s2 =	sld [smem:$0x3F9A];
	s0 =	simm.s32 @p1 $0x1  }
0x15: {  	[smem:$0x3FB7] =	sst s0;
	s0 =	simm.s32 @!p2 $0x0  }
0x16: {  	s3 =	sld [smem:$0x3FDB];
	s0 =	simm.s32 @p2 $0x1  }
0x17: {  	s4 =	simm.s32 $0x1BF5;
	[smem:$0x3FB9] =	sst s0  }
0x18: {  	s0 =	sld [smem:$0x3F9C];
	_ =	swait.ge [sflag:s4], $0x0  }
0x19: {  	s7 =	sld [smem:$0x3F9D]  }
0x1a: {  	s8 =	sadd.s32 $0xFFFFE003, lr  }
0x1b: {  	s9 =	sadd.s32 $0xFFFFFEF7, lr;
	s5 =	simm.s32 $0xFFFFFFFF;
	p2 =	slt.u32 s8, $0xFFFFF086  }
0x1c: {  	p1 =	slt.u32 s9, $0xF7A;
	s5 =	simm.s32 @!p2 $0x0  }
0x1d: {  	s5 =	simm.s32 @p1 $0x1;
	p0 =	seq.s32 s7, s2  }
0x1e: {  	s7 =	smul.u32 @!p0 $0xF7A, s2;
	p2 =	seq.s32 @!p0 s5, $0x0  }
0x1f: {  	s9 =	smul.u32 $0xF7A, s1;
	s8 =	simm.s32 @!p0 $0x1BF5;
	p2 =	por !p2, p0  }
0x20: {  	[sflag:s8] =	ssyncset.s32 @!p0 $0xFFFFF086;
	s6 =	sadd.s32 @!p0 s3, s7;
	s7 =	simm.s32 @!p0 $0x108  }
0x21: {  	s3 =	sadd.s32 s3, s9;
	s6 =	sadd.s32 @!p0 $0x88, s6;
	s7 =	simm.s32 @p2 $0x1082  }
0x22: {  	[simem:s7], [sflag:s8] =	dma.local @!p0 [hbm:s6], $0xF7A  }
0x23: {  	s9 =	sor.u32 $0xD0000000, s2;
	s6 =	simm.s32 $0x108;
	_ =	swait.ge @!p0 [sflag:s8], $0x0  }
0x24: {  	s3 =	sadd.s32 $0x88, s3;
	s6 =	simm.s32 @!p1 $0x1082;
	[sflag:s4] =	ssyncset.s32 $0xFFFFF086  }
0x25: {  	[simem:s6], [sflag:s4] =	dma.local [hbm:s3], $0xF7A  }
0x26: {  	[smem:$0x3F9D] =	sst s1;
	(tag) =	ssettag s2;
	_ =	strace s9  }
0x27: {  	s1 =	sld [smem:$0x3FAD]  }
0x28: {  	s2 =	sld [smem:$0x3FAE]  }
0x29: {  	s4 =	sld [smem:$0x3FB0]  }
0x2a: {  	p0 =	seq.s32 s5, $0x0;
	s5 =	sld [smem:$0x3FB1]  }
0x2b: {  	s6 =	sld [smem:$0x3FB2]  }
0x2c: {  	s7 =	sld [smem:$0x3FB3]  }
0x2d: {  	s3 =	simm.s32 $0x108;
	s8 =	sld [smem:$0x3FB4]  }
0x2e: {  	s3 =	simm.s32 @!p0 $0x1082;
	s9 =	sld [smem:$0x3FB5]  }
0x2f: {  	lr =	sadd.s32 s0, s3;
	s0 =	sld [smem:$0x3FAC]  }
0x30: {  	s3 =	sld [smem:$0x3FAF]  }
0x31: {  	[smem:$0x3FB8] =	sst s10  }
0x32: {  	s10 =	sld [smem:$0x3FB6];
	_ =	sdelay $0x3  }
0x33: {  	p0 =	seq.s32 s10, $0x1;
	s10 =	sld [smem:$0x3FB8];
	_ =	sdelay $0x3  }
0x34: {  	[smem:$0x3FB8] =	sst s10  }
0x35: {  	s10 =	sld [smem:$0x3FB7];
	_ =	sdelay $0x3  }
0x36: {  	p1 =	seq.s32 s10, $0x1;
	s10 =	sld [smem:$0x3FB8];
	_ =	sdelay $0x3  }
0x37: {  	[smem:$0x3FB8] =	sst s10  }
0x38: {  	s10 =	sld [smem:$0x3FB9]  }
0x39: {  	_ = 	snop;
	(pc) =	sbr.ind lr, $3  }
0x3a: {  	_ = 	snop  }
0x3b: {  	_ = 	snop  }
0x3c: {  	p2 =	seq.s32 s10, $0x1;
	s10 =	sld [smem:$0x3FB8]  }
0x3d: {  	_ =	shalt  }
0x3e: {  	_ =	shalt  }
0x3f: {  	_ =	shalt  }
0x40: {  	_ =	shalt  }
0x41: {  	_ =	shalt  }
0x42: {  	_ =	shalt  }
0x43: {  	_ =	shalt  }
0x44: {  	_ =	shalt  }
0x45: {  	_ =	shalt  }
0x46: {  	_ =	shalt  }
0x47: {  	_ =	shalt  }
0x48: {  	_ =	shalt  }
0x49: {  	_ =	shalt  }
0x4a: {  	_ =	shalt  }
0x4b: {  	_ =	shalt  }
0x4c: {  	_ =	shalt  }
0x4d: {  	_ =	shalt  }
0x4e: {  	_ =	shalt  }
0x4f: {  	_ =	shalt  }
0x50: {  	_ =	shalt  }
0x51: {  	_ =	shalt  }
0x52: {  	_ =	shalt  }
0x53: {  	_ =	shalt  }
0x54: {  	_ =	shalt  }
0x55: {  	_ =	shalt  }
0x56: {  	_ =	shalt  }
0x57: {  	_ =	shalt  }
0x58: {  	_ =	shalt  }
0x59: {  	_ =	shalt  }
0x5a: {  	_ =	shalt  }
0x5b: {  	_ =	shalt  }
0x5c: {  	_ =	shalt  }
0x5d: {  	_ =	shalt  }
0x5e: {  	_ =	shalt  }
0x5f: {  	_ =	shalt  }
0x60: {  	_ =	shalt  }
0x61: {  	_ =	shalt  }
0x62: {  	_ =	shalt  }
0x63: {  	_ =	shalt  }
0x64: {  	_ =	shalt  }
0x65: {  	_ =	shalt  }
0x66: {  	_ =	shalt  }
0x67: {  	_ =	shalt  }
0x68: {  	_ =	shalt  }
0x69: {  	_ =	shalt  }
0x6a: {  	_ =	shalt  }
0x6b: {  	_ =	shalt  }
0x6c: {  	_ =	shalt  }
0x6d: {  	_ =	shalt  }
0x6e: {  	_ =	shalt  }
0x6f: {  	_ =	shalt  }
0x70: {  	_ =	shalt  }
0x71: {  	_ =	shalt  }
0x72: {  	_ =	shalt  }
0x73: {  	_ =	shalt  }
0x74: {  	_ =	shalt  }
0x75: {  	_ =	shalt  }
0x76: {  	_ =	shalt  }
0x77: {  	_ =	shalt  }
0x78: {  	_ =	shalt  }
0x79: {  	_ =	shalt  }
0x7a: {  	_ =	shalt  }
0x7b: {  	_ =	shalt  }
0x7c: {  	_ =	shalt  }
0x7d: {  	_ =	shalt  }
0x7e: {  	_ =	shalt  }
0x7f: {  	_ =	shalt  }
0x80: {  	_ =	shalt  }
0x81: {  	_ =	shalt  }
0x82: {  	_ =	shalt  }
0x83: {  	_ =	shalt  }
0x84: {  	_ =	shalt  }
0x85: {  	_ =	shalt  }
0x86: {  	_ =	shalt  }
0x87: {  	_ =	shalt  }
.Lfunc_end0:
.L_simem_size_0:
called_computation_lowered:
.L_overlay_start_0:
0x88: {  	s2 =	sld [smem:$0x3FD9]  }
0x89: {  	s3 =	sld [smem:$0x3FFE];
	_ =	sdelay $0x1  }
0x8a: {  	s1 =	srdreg.scid  }
0x8b: {  	s0 =	sand.u32 $0x1, s1  }
0x8c: {  	s15 =	sshll.u32 s0, $0xA;
	s2 =	sadd.s32 s3, s2  }
0x8d: {  	s2 =	sadd.s32 s2, s15  }
0x8e: {  	[smem:$0x3FC4] =	sst s2  }
0x8f: {  	_ = 	snop  }
0x90: {  	s2 =	sld [smem:$0x3FD0];
	_ =	sdelay $0x1  }
0x91: {  	s16 =	sld [smem:$0x3FC9]  }
0x92: {  	s5 =	simm.s32 $0xA;
	s6 =	simm.s32 $0x10;
	s4 =	sld [smem:$0x3FC7]  }
0x93: {  	[smem:s6], [sflag:s5] =	dma.local [hbm:s2], $0x1  }
0x94: {  	_ =	swait.eq [sflag:s5], $0x1  }
0x95: {  	[sflag:s5] =	ssyncset.done $0x0  }
0x96: {  	[sflag:s5] =	ssyncadd.s32 $0xFFFFFFFF  }
0x97: {  	s17 =	sld [smem:$0x10];
	(tm) =	ssettm $0x1  }
0x98: {  	s18 =	sld [smem:$0x3FFB];
	_ =	sdelay $0x3  }
0x99: {  	_ =	strace s18  }
0x9a: {  	s5 =	sld [smem:$0x3FFC];
	_ =	sdelay $0x3  }
0x9b: {  	_ =	strace s5  }
0x9c: {  	s5 =	sld [smem:$0x3FFD];
	_ =	sdelay $0x3  }
0x9d: {  	_ =	strace s5  }
0x9e: {  	_ =	strace $0x8FFFFFFF  }
0x9f: {  	s19 =	sld [smem:$0x3FDB];
	_ =	sdelay $0x1  }
0xa0: {  	s20 =	simm.s32 $_scs_section_size  }
0xa1: {  	s7 =	simm.s32 $_size__tile_overlayer_lowered;
	s8 =	simm.s32 $_tile_overlayer_lowered  }
0xa2: {  	s23 =	simm.s32 $0x1BFF;
	s22 =	sshll.u32 s8, $0x1;
	s5 =	sadd.s32 s20, s19  }
0xa3: {  	s9 =	simm.s32 $0x0;
	s21 =	sshll.u32 s7, $0x1;
	s7 =	sadd.s32 s22, s5  }
0xa4: {  	[timem:s9], [sflag:s23] =	dma.local [hbm:s7], s21  }
0xa5: {  	_ =	swait.ge [sflag:s23], s21  }
0xa6: {  	s6 =	ssub.s32 $0x0, s21;
	[sflag:s23] =	ssyncset.done $0x0  }
0xa7: {  	[sflag:s23] =	ssyncadd.s32 s6;
	_ =	sdelay $0x1  }
0xa8: {  	s24 =	simm.s32 $0x1B8B  }
0xa9: {  	_ =	swait.ge [sflag:s24], $0x1  }
0xaa: {  	[sflag:s24] =	ssyncset.done $0x0  }
0xab: {  	s25 =	simm.s32 $0x1B8E;
	[sflag:s24] =	ssyncadd.s32 $0xFFFFFFFF  }
0xac: {  	s26 =	simm.s32 $execute0_lowered;
	[smem:$0x3FD2] =	sst s25  }
0xad: {  	s6 =	sshll.u32 s26, $0x1;
	_ =	strace $0x80000046;
	[dreg:$0x1] =	wrdreg $0xFFFFFFFF  }
0xae: {  	s28 =	simm.s32 $_size_execute0_lowered;
	s5 =	sadd.s32 s5, s6;
	[dreg:$0x0] =	wrdreg $0x0  }
0xaf: {  	s6 =	sshll.u32 s28, $0x1;
	[dreg:$0x2] =	wrdreg s5  }
0xb0: {  	[dreg:$0x3] =	wrdreg s6  }
0xb1: {  	[dreg:$0x4] =	wrdreg $0xC0  }
0xb2: {  	_ =	task [dreg:s9], $0x5FFFF  }
0xb3: {  	[dreg:$0x1] =	wrdreg $0xFFFFFFFF  }
0xb4: {  	[dreg:$0x0] =	wrdreg $0x60  }
0xb5: {  	[dreg:$0x2] =	wrdreg s16  }
0xb6: {  	[dreg:$0x3] =	wrdreg s4  }
0xb7: {  	[dreg:$0x4] =	wrdreg s17  }
0xb8: {  	[dreg:$0x5] =	wrdreg $0x9  }
0xb9: {  	_ =	task.clear_ibuf [dreg:s9], $0x6FFFF;
	_ =	strace $0x90000046  }
0xba: {  	s29 =	simm.s32 $0x9;
	_ =	strace $0x80000048  }
0xbb: {  	_ =	swait.ge [sflag:s29], $0x1  }
0xbc: {  	[sflag:s29] =	ssyncadd.s32 $0xFFFFFFFF  }
0xbd: {  	_ =	strace $0x90000048  }
0xbe: {  	_ =	sfence  }
0xbf: {  	s30 =	sld [smem:$0x0];
	_ =	sdelay $0x2  }
0xc0: {  	s31 =	sshll.u32 s1, $0xD;
	s1 =	sshrl.u32 s1, $0x2  }
0xc1: {  	s3 =	sand.u32 $0x4000, s31;
	s1 =	sadd.s32 s1, s30  }
0xc2: {  	s0 =	sor.u32 s3, s0;
	s1 =	sshll.u32 s1, $0x11  }
0xc3: {  	s0 =	sor.u32 s1, s0  }
0xc4: {  	s0 =	sadd.s32 $0x8F2B, s0  }
0xc5: {  	[sflag:s0] =	ssyncadd.remote.s32 $0x1  }
0xc6: {  	_ =	sfence.sel $0xFFFF  }
0xc7: {  	[dreg:$0x0] =	wrdreg $0xFFFFFFFF;
	(pc) =	sbr.abs _section_cstart, $3  }
0xc8: {  	[dreg:$0x1] =	wrdreg $0xFFFFFFFF  }
0xc9: {  	_ =	task.clear_ibuf [dreg:s9], $0x2FFFF;
	_ =	strace $0x9FFFFFFF  }
0xca: {  	(tm) =	ssettm $0x7FFFFFFF  }
0xcb: {  	_ =	shalt  }
tec
execute0_lowered:
.L_overlay_start_1:
0x0: {  	(tag) =	ssettag $0x1  }
0x1: {  	s13 =	rddreg [dreg:$0x0]  }
0x2: {  	s1 =	srdreg.scid;
	s0 =	stileid.u32  }
0x3: {  	s17 =	rddreg [dreg:$0x1];
	s22 =	sand.u32 $0x1, s1;
	s30 =	sshll.u32 s0, $0x1  }
0x4: {  	s21 =	rddreg [dreg:$0x2];
	s18 =	sor.u32 s22, s30  }
0x5: {  	s2 =	simm.s32 $0x0;
	s1 =	rddreg [dreg:$0x3];
	s14 =	sshll.u32 s18, $0xE  }
0x6: {  	[smem:$0x7FF] =	sst s2;
	s9 =	sor.u32 $0x180000, s14  }
0x7: {  	_ =	strace $0x80000047;
	s11 =	sor.u32 $0x181000, s14;
	s3 =	sadd.s32 s13, s9  }
0x8: {  	[tilespmem:s2], [sflag:$0x1] =	stream.linear.gather [hbm4b:s3+s2], $0x8000, $0x38;
	[tilespmem:$0x18000] =	vst v63  }
0x9: {  	s5 =	simm.s32 $0x8000;
	s15 =	sor.u32 $0x182000, s14;
	s4 =	sadd.s32 s13, s11  }
0xa: {  	[tilespmem:s5], [sflag:$0x2] =	stream.linear.gather [hbm4b:s4+s2], $0x8000, $0x38;
	[tilespmem:$0x18000] =	vst v63  }
0xb: {  	s7 =	simm.s32 $0x10000;
	s8 =	simm.s32 $0x1;
	s6 =	sadd.s32 s13, s15  }
0xc: {  	[tilespmem:s7], [sflag:$0x3] =	stream.linear.gather [hbm4b:s6+s2], $0x8000, $0x38;
	[tilespmem:$0x18000] =	vst v63  }
0xd: {  	_ =	swait.ge [sflag:s8], $0x8000  }
0xe: {  	[sflag:s8] =	ssyncset.done $0x0  }
0xf: {  	s10 =	simm.s32 $0x2;
	s9 =	sadd.s32 s21, s9;
	[sflag:s8] =	ssyncadd.s32 $0xFFFF8000  }
0x10: {  	[hbm4b:s9+s2] =	stream.linear.scatter [tilespmem:s2], [sflag:$0x4], $0x8000, $0x38;
	[tilespmem:$0x18000] =	vst v63  }
0x11: {  	_ =	swait.ge [sflag:s10], $0x8000  }
0x12: {  	[sflag:s10] =	ssyncset.done $0x0  }
0x13: {  	s12 =	simm.s32 $0x4;
	s11 =	sadd.s32 s21, s11;
	[sflag:s10] =	ssyncadd.s32 $0xFFFF8000  }
0x14: {  	[hbm4b:s11+s2] =	stream.linear.scatter [tilespmem:s5], [sflag:$0x5], $0x8000, $0x38;
	[tilespmem:$0x18000] =	vst v63  }
0x15: {  	_ =	swait.ge [sflag:s12], $0x8000  }
0x16: {  	s19 =	sor.u32 $0x183000, s14;
	[sflag:s12] =	ssyncset.done $0x0  }
0x17: {  	s14 =	simm.s32 $0x3;
	s13 =	sadd.s32 s13, s19;
	[sflag:s12] =	ssyncadd.s32 $0xFFFF8000  }
0x18: {  	[tilespmem:s2], [sflag:$0x1] =	stream.linear.gather [hbm4b:s13+s2], $0x8000, $0x38;
	[tilespmem:$0x18000] =	vst v63  }
0x19: {  	_ =	swait.ge [sflag:s14], $0x8000  }
0x1a: {  	[sflag:s14] =	ssyncset.done $0x0  }
0x1b: {  	s16 =	simm.s32 $0x5;
	s15 =	sadd.s32 s21, s15;
	[sflag:s14] =	ssyncadd.s32 $0xFFFF8000  }
0x1c: {  	[hbm4b:s15+s2] =	stream.linear.scatter [tilespmem:s7], [sflag:$0x6], $0x8000, $0x38;
	[tilespmem:$0x18000] =	vst v63  }
0x1d: {  	_ =	swait.ge [sflag:s16], $0x8000  }
0x1e: {  	s23 =	sshll.u32 s18, $0xD;
	[sflag:s16] =	ssyncset.done $0x0  }
0x1f: {  	s17 =	sadd.s32 s17, s23;
	[sflag:s16] =	ssyncadd.s32 $0xFFFF8000  }
0x20: {  	[tilespmem:s5], [sflag:$0x2] =	stream.linear.gather [hbm4b:s17+s2], $0x8000, $0x38;
	[tilespmem:$0x18000] =	vst v63  }
0x21: {  	_ =	swait.ge [sflag:s8], $0x8000  }
0x22: {  	[sflag:s8] =	ssyncset.done $0x0  }
0x23: {  	s18 =	simm.s32 $0x6;
	s19 =	sadd.s32 s21, s19;
	[sflag:s8] =	ssyncadd.s32 $0xFFFF8000  }
0x24: {  	[hbm4b:s19+s2] =	stream.linear.scatter [tilespmem:s2], [sflag:$0x4], $0x8000, $0x38;
	[tilespmem:$0x18000] =	vst v63  }
0x25: {  	_ =	swait.ge [sflag:s18], $0x8000  }
0x26: {  	[sflag:s18] =	ssyncset.done $0x0  }
0x27: {  	s20 =	sadd.s32 $0x1000, s17;
	[sflag:s18] =	ssyncadd.s32 $0xFFFF8000  }
0x28: {  	[tilespmem:s7], [sflag:$0x3] =	stream.linear.gather [hbm4b:s20+s2], $0x8000, $0x38;
	[tilespmem:$0x18000] =	vst v63  }
0x29: {  	_ =	swait.ge [sflag:s10], $0x8000  }
0x2a: {  	s24 =	ssub.s32 $0x2, s22;
	s23 =	sadd.s32 s23, s21;
	[sflag:s10] =	ssyncset.done $0x0  }
0x2b: {  	s31 =	sshrl.u32 s24, $0x1;
	s21 =	sadd.s32 $0x200000, s23;
	[sflag:s10] =	ssyncadd.s32 $0xFFFF8000  }
0x2c: {  	[hbm4b:s21+s2] =	stream.linear.scatter [tilespmem:s5], [sflag:$0x5], $0x8000, $0x38;
	[tilespmem:$0x18000] =	vst v63  }
0x2d: {  	s22 =	sadd.s32 $0x201000, s23;
	s23 =	ssub.s32 s24, s31;
	_ =	swait.ge [sflag:s14], $0x8000  }
0x2e: {  	s23 =	smax.u32 s23, $0x1;
	[sflag:s14] =	ssyncset.done $0x0  }
0x2f: {  	p0 =	sne.s32 s23, $0x1;
	[sflag:s14] =	ssyncadd.s32 $0xFFFF8000  }
0x30: {  	[hbm4b:s22+s2] =	stream.linear.scatter [tilespmem:s7], [sflag:$0x6], $0x8000, $0x38;
	[tilespmem:$0x18000] =	vst v63  }
.Ltmp0:
0x31: {  	_ =	swait.ge [sflag:s16], $0x8000;
	(pc) =	sbr.rel @!p0 .LBB2_2-.Ltmp0, $4  }
0x32: {  	[sflag:s16] =	ssyncset.done $0x0  }
0x33: {  	[sflag:s16] =	ssyncadd.s32 $0xFFFF8000  }
0x34: {  	_ =	swait.ge [sflag:s18], $0x8000  }
0x35: {  	s23 =	sadd.s32 $0xFFFFFFFF, s23;
	[sflag:s18] =	ssyncset.done $0x0  }
.LBB2_1:
0x36: {  	p0 =	sne.s32 s23, $0x1;
	s23 =	sadd.s32 $0xFFFFFFFF, s23;
	[sflag:s18] =	ssyncadd.s32 $0xFFFF8000  }
0x37: {  	[tilespmem:s2], [sflag:$0x1] =	stream.linear.gather [hbm4b:s3+s2], $0x8000, $0x38;
	[tilespmem:$0x18000] =	vst v63  }
0x38: {  	_ = 	snop  }
0x39: {  	[tilespmem:s5], [sflag:$0x2] =	stream.linear.gather [hbm4b:s4+s2], $0x8000, $0x38;
	[tilespmem:$0x18000] =	vst v63  }
0x3a: {  	_ = 	snop  }
0x3b: {  	[tilespmem:s7], [sflag:$0x3] =	stream.linear.gather [hbm4b:s6+s2], $0x8000, $0x38;
	[tilespmem:$0x18000] =	vst v63  }
0x3c: {  	_ =	swait.ge [sflag:s8], $0x8000  }
0x3d: {  	[sflag:s8] =	ssyncset.done $0x0  }
0x3e: {  	[sflag:s8] =	ssyncadd.s32 $0xFFFF8000  }
0x3f: {  	[hbm4b:s9+s2] =	stream.linear.scatter [tilespmem:s2], [sflag:$0x4], $0x8000, $0x38;
	[tilespmem:$0x18000] =	vst v63  }
0x40: {  	_ =	swait.ge [sflag:s10], $0x8000  }
0x41: {  	[sflag:s10] =	ssyncset.done $0x0  }
0x42: {  	[sflag:s10] =	ssyncadd.s32 $0xFFFF8000  }
0x43: {  	[hbm4b:s11+s2] =	stream.linear.scatter [tilespmem:s5], [sflag:$0x5], $0x8000, $0x38;
	[tilespmem:$0x18000] =	vst v63  }
0x44: {  	_ =	swait.ge [sflag:s12], $0x8000  }
0x45: {  	[sflag:s12] =	ssyncset.done $0x0  }
0x46: {  	[sflag:s12] =	ssyncadd.s32 $0xFFFF8000  }
0x47: {  	[tilespmem:s2], [sflag:$0x1] =	stream.linear.gather [hbm4b:s13+s2], $0x8000, $0x38;
	[tilespmem:$0x18000] =	vst v63  }
0x48: {  	_ =	swait.ge [sflag:s14], $0x8000  }
0x49: {  	[sflag:s14] =	ssyncset.done $0x0  }
0x4a: {  	[sflag:s14] =	ssyncadd.s32 $0xFFFF8000  }
0x4b: {  	[hbm4b:s15+s2] =	stream.linear.scatter [tilespmem:s7], [sflag:$0x6], $0x8000, $0x38;
	[tilespmem:$0x18000] =	vst v63  }
0x4c: {  	_ =	swait.ge [sflag:s16], $0x8000  }
0x4d: {  	[sflag:s16] =	ssyncset.done $0x0  }
0x4e: {  	[sflag:s16] =	ssyncadd.s32 $0xFFFF8000  }
0x4f: {  	[tilespmem:s5], [sflag:$0x2] =	stream.linear.gather [hbm4b:s17+s2], $0x8000, $0x38;
	[tilespmem:$0x18000] =	vst v63  }
0x50: {  	_ =	swait.ge [sflag:s8], $0x8000  }
0x51: {  	[sflag:s8] =	ssyncset.done $0x0  }
0x52: {  	[sflag:s8] =	ssyncadd.s32 $0xFFFF8000  }
0x53: {  	[hbm4b:s19+s2] =	stream.linear.scatter [tilespmem:s2], [sflag:$0x4], $0x8000, $0x38;
	[tilespmem:$0x18000] =	vst v63  }
0x54: {  	_ =	swait.ge [sflag:s18], $0x8000  }
0x55: {  	[sflag:s18] =	ssyncset.done $0x0  }
0x56: {  	[sflag:s18] =	ssyncadd.s32 $0xFFFF8000  }
0x57: {  	[tilespmem:s7], [sflag:$0x3] =	stream.linear.gather [hbm4b:s20+s2], $0x8000, $0x38;
	[tilespmem:$0x18000] =	vst v63  }
0x58: {  	_ =	swait.ge [sflag:s10], $0x8000  }
0x59: {  	[sflag:s10] =	ssyncset.done $0x0  }
0x5a: {  	[sflag:s10] =	ssyncadd.s32 $0xFFFF8000  }
0x5b: {  	[hbm4b:s21+s2] =	stream.linear.scatter [tilespmem:s5], [sflag:$0x5], $0x8000, $0x38;
	[tilespmem:$0x18000] =	vst v63  }
0x5c: {  	_ =	swait.ge [sflag:s14], $0x8000  }
0x5d: {  	[sflag:s14] =	ssyncset.done $0x0  }
0x5e: {  	[sflag:s14] =	ssyncadd.s32 $0xFFFF8000  }
0x5f: {  	[hbm4b:s22+s2] =	stream.linear.scatter [tilespmem:s7], [sflag:$0x6], $0x8000, $0x38;
	[tilespmem:$0x18000] =	vst v63  }
.Ltmp1:
0x60: {  	_ =	swait.ge [sflag:s16], $0x8000;
	(pc) =	sbr.rel @p0 .LBB2_1-.Ltmp1, $4  }
0x61: {  	[sflag:s16] =	ssyncset.done $0x0  }
0x62: {  	[sflag:s16] =	ssyncadd.s32 $0xFFFF8000  }
0x63: {  	_ =	swait.ge [sflag:s18], $0x8000  }
0x64: {  	[sflag:s18] =	ssyncset.done $0x0  }
.LBB2_2:
0x65: {  	[sflag:s18] =	ssyncadd.s32 $0xFFFF8000  }
0x66: {  	_ =	sfence.sel $0x180000  }
0x67: {  	[bflag:$0x0] =	sbarrier.arrive $0xFFFF  }
0x68: {  	p0 =	sne.s32 s0, $0x0;
	_ =	strace $0x90000047  }
0x69: {  	s0 =	sadd.s32 @!p0 $0x100000, s1;
	[bflag:$0x2] =	sbarrier.arrive $0xFFFF  }
0x6a: {  	[sflag:s0] =	ssyncadd.tile.s32 @!p0 $0x1;
	_ =	shalt  }
.Lfunc_end2:
_tile_overlayer_lowered:
.L_overlay_start_2:
0x6b: {  	(tag) =	ssettag $0x2  }
0x6c: {  	s0 =	rddreg [dreg:$0x0];
	s2 =	stileid.u32  }
0x6d: {  	s1 =	rddreg [dreg:$0x1];
	p0 =	sne.s32 s2, $0x0  }
0x6e: {  	s3 =	rddreg [dreg:$0x2];
	[bflag:$0x3] =	sbarrier.arrive $0xFFFF;
	s2 =	simm.s32 @!p0 $0x1C07  }
0x6f: {  	[timem:s3], [sflag:s2] =	dma.local @!p0 [hbm:s0], s1  }
0x70: {  	s0 =	simm.s32 @!p0 $0x7  }
0x71: {  	_ =	swait.ge @!p0 [sflag:s0], s1  }
0x72: {  	s1 =	ssub.s32 @!p0 $0x0, s1;
	[sflag:s0] =	ssyncset.done @!p0 $0x0  }
0x73: {  	[sflag:s0] =	ssyncadd.s32 @!p0 s1  }
0x74: {  	[bflag:$0x3] =	sbarrier.arrive $0xFFFF  }
0x75: {  	_ =	shalt  }

</sc_bundles>
